<compile_context>
chip_gen: v7x
topology: tpu7x:2x2x1
jax: 0.10.2.dev20260603
libtpu: 0.0.44.dev20260713+nightly
codegen_flags: <defaults>
</compile_context>

<pallas_src>
import jax
import jax.numpy as jnp
from jax import lax
from jax.experimental import pallas as pl
from jax.experimental.pallas import tpu as pltpu
from jax.experimental.pallas import tpu_sc as plsc

VOCAB = 1000000
D = 32
OUT = 16
B = 16384
SEQ = 50
EPS = 1e-5 * SEQ * SEQ

NC = 2
NS = 16
NW = NC * NS
BPW = B // NW
CHUNK = 128
NCH = BPW // CHUNK


VCHUNK = 65536
TROWS = VCHUNK // 4
FGRID = (VOCAB + VCHUNK - 1) // VCHUNK
VPAD = FGRID * VCHUNK
VSH = VCHUNK.bit_length() - 1
TSH = TROWS.bit_length() - 1


def _fmt_body(tt_ref, o_ref):
    a = tt_ref[...]
    b = jnp.concatenate(
        [a[:, q * TROWS:(q + 1) * TROWS] for q in range(4)], axis=0)
    o_ref[...] = b.T


def _fmt(tableT):
    return pl.pallas_call(
        _fmt_body,
        grid=(FGRID,),
        in_specs=[pl.BlockSpec((D, VCHUNK), lambda i: (0, i))],
        out_specs=pl.BlockSpec((TROWS, 128), lambda i: (i, 0)),
        out_shape=jax.ShapeDtypeStruct((VPAD // 4, 128), jnp.float32),
        compiler_params=pltpu.CompilerParams(
            vmem_limit_bytes=100 * 1024 * 1024),
    )(tableT)


def _sc_pool_body(table_hbm, xp_hbm, out_hbm, idx_v, acc_v, isem, sem):
    wid = lax.axis_index("s") * NC + lax.axis_index("c")

    idx_cp = pltpu.async_copy(xp_hbm.at[:, pl.ds(wid * BPW, BPW)], idx_v,
                              isem)

    def _zero_row(i, _):
        acc_v[i, pl.ds(0, 16)] = jnp.zeros((16,), jnp.float32)
        acc_v[i, pl.ds(16, 16)] = jnp.zeros((16,), jnp.float32)
        return 0
    lax.fori_loop(0, BPW, _zero_row, 0)
    idx_cp.wait()

    for c in range(NCH):
        def _fire(j, _, c=c):
            pltpu.async_copy(
                table_hbm.at[idx_v.at[j, pl.ds(c * CHUNK, CHUNK)]],
                acc_v.at[pl.ds(c * CHUNK, CHUNK)], sem, add=True)
            return 0
        lax.fori_loop(0, SEQ, _fire, 0)

    def _drain(t, _):
        pltpu.make_async_copy(table_hbm.at[idx_v.at[0, pl.ds(0, CHUNK)]],
                              acc_v.at[pl.ds(0, CHUNK)], sem).wait()
        return 0
    lax.fori_loop(0, SEQ * NCH, _drain, 0)

    pltpu.sync_copy(acc_v, out_hbm.at[pl.ds(wid * BPW, BPW)])


def _sc_pool(t4, x):
    mesh = plsc.VectorSubcoreMesh(core_axis_name="c", subcore_axis_name="s")
    return pl.kernel(
        _sc_pool_body,
        out_type=jax.ShapeDtypeStruct((B, D), jnp.float32),
        mesh=mesh,
        scratch_types=[
            pltpu.VMEM((SEQ, BPW), jnp.int32),
            pltpu.VMEM((BPW, D), jnp.float32),
            pltpu.SemaphoreType.DMA,
            pltpu.SemaphoreType.DMA,
        ],
        compiler_params=pltpu.CompilerParams(use_tc_tiling_on_sc=False,
                                             needs_layout_passes=False),
    )(t4, x)


def _head_body(s_ref, g_ref, be_ref, wt_ref, b_ref, o_ref):
    s = s_ref[...]
    mu = jnp.mean(s, axis=1, keepdims=True)
    var = jnp.mean((s - mu) ** 2, axis=1, keepdims=True)
    h = (s - mu) * lax.rsqrt(var + EPS) * g_ref[...] + be_ref[...]
    h = jnp.maximum(h, 0.0)
    o = jnp.dot(h, wt_ref[...],
                preferred_element_type=jnp.float32) + b_ref[...]
    o_ref[...] = o.T


def _head(sums, gamma, beta, Wt, bias):
    blk = 4096
    return pl.pallas_call(
        _head_body,
        grid=(B // blk,),
        in_specs=[
            pl.BlockSpec((blk, D), lambda i: (i, 0)),
            pl.BlockSpec((1, D), lambda i: (0, 0)),
            pl.BlockSpec((1, D), lambda i: (0, 0)),
            pl.BlockSpec((D, OUT), lambda i: (0, 0)),
            pl.BlockSpec((1, OUT), lambda i: (0, 0)),
        ],
        out_specs=pl.BlockSpec((OUT, blk), lambda i: (0, i)),
        out_shape=jax.ShapeDtypeStruct((OUT, B), jnp.float32),
    )(sums, gamma, beta, Wt, bias)


def kernel(x, table, ln_gamma, ln_beta, W, b):
    t4 = _fmt(table.T)
    xt = x.T
    xp = (((xt >> VSH) << VSH) + ((xt & (TROWS - 1)) << 2)
          + ((xt & (VCHUNK - 1)) >> TSH))
    sums = _sc_pool(t4.reshape(VPAD, D), xp)
    return _head(sums, ln_gamma.reshape(1, D), ln_beta.reshape(1, D),
                 W.T, b.reshape(1, OUT)).T

# --- scband reference (transcript-rebuilt; emitter-appended) ---
"""Pipeline reference for scband-embedding-bag-model-1640677507200 (READ-ONLY COPY).

The authoritative reference and input builder live on the scoring server;
editing this copy changes nothing except your own understanding.
"""

import jax, jax.numpy as jnp
import numpy as np

VOCAB = 1000000
EMBED_DIM = 32
OUT_DIM = 16
BATCH = 16384
SEQ = 50


def setup_inputs(seed: int = 0) -> dict:
    key = jax.random.key(seed)
    k1, k2, k3, k4, k5, k6 = jax.random.split(key, 6)
    x = jax.random.randint(k1, (BATCH, SEQ), 0, VOCAB, dtype=jnp.int32)
    table = jax.random.normal(k2, (VOCAB, EMBED_DIM), dtype=jnp.float32) * 0.02
    ln_gamma = jnp.ones((EMBED_DIM,), dtype=jnp.float32)
    ln_beta = jnp.zeros((EMBED_DIM,), dtype=jnp.float32)
    W = jax.random.normal(k3, (OUT_DIM, EMBED_DIM), dtype=jnp.float32) * (1.0 / np.sqrt(EMBED_DIM))
    b = jax.random.normal(k4, (OUT_DIM,), dtype=jnp.float32) * 0.01
    return {"x": x, "table": table, "ln_gamma": ln_gamma, "ln_beta": ln_beta, "W": W, "b": b}


def reference(x, table, ln_gamma, ln_beta, W, b):
    # EmbeddingBag(mode='mean') with fixed-length bags of length SEQ
    emb = jnp.take(table, x, axis=0)            # [B, L, D] gather
    pooled = jnp.mean(emb, axis=1)              # [B, D] mean pooling per bag
    # LayerNorm (eps=1e-5, biased variance, matching torch)
    mu = jnp.mean(pooled, axis=-1, keepdims=True)
    var = jnp.var(pooled, axis=-1, keepdims=True)
    h = (pooled - mu) / jnp.sqrt(var + 1e-5) * ln_gamma + ln_beta
    h = jax.nn.relu(h)
    out = h @ W.T + b                           # Linear
    return out

if __name__ == "__main__":
    import jax
    _d = setup_inputs()
    print(jax.jit(kernel)(*tuple(_d.values())))

</pallas_src>

<mosaic_0001>
#map = affine_map<(d0, d1) -> (0, 0)>
module attributes {stable_mosaic.version = 14 : i64} {
  func.func @_sc_pool_body(%arg0: i32, %arg1: i32, %arg2: memref<1048576x32xf32, #tpu.memory_space<hbm>>, %arg3: memref<50x16384xi32, #tpu.memory_space<hbm>>, %arg4: memref<16384x32xf32, #tpu.memory_space<hbm>>, %arg5: memref<50x512xi32, #tpu.memory_space<vmem>>, %arg6: memref<512x32xf32, #tpu.memory_space<vmem>>, %arg7: memref<!tpu.dma_semaphore, #tpu.memory_space<semaphore_mem>>, %arg8: memref<!tpu.dma_semaphore, #tpu.memory_space<semaphore_mem>>) attributes {dimension_semantics = [#tpu.dimension_semantics<core_parallel>, #tpu.dimension_semantics<subcore_parallel>], iteration_bounds = array<i64: 2, 16>, scalar_prefetch = 0 : i64, scratch_operands = 4 : i64, tpu.core_type = #tpu.core_type<sc_vector_subcore>, window_params = [{transform_indices = #map}, {transform_indices = #map}, {transform_indices = #map}]} {
    %mul3A = arith.constant 2 : i32
    %mul3A_0 = arith.muli %arg1, %mul3A : i32
    %add3A = arith.addi %mul3A_0, %arg0 : i32
    %mul3A_1 = arith.constant 512 : i32
    %mul3A_2 = arith.muli %add3A, %mul3A_1 : i32
    %dma_start3A = arith.constant 0 : i32
    %dma_start3A_3 = tpu.memref_slice %arg3[%dma_start3A, %mul3A_2] : memref<50x16384xi32, #tpu.memory_space<hbm>> -> memref<50x512xi32, #tpu.memory_space<hbm>>
    %dma_start3A_4 = arith.constant 0 : i32
    %dma_start3A_5 = tpu.memref_slice %arg3[%dma_start3A_4, %mul3A_2] : memref<50x16384xi32, #tpu.memory_space<hbm>> -> memref<50x512xi32, #tpu.memory_space<hbm>>
    tpu.enqueue_dma source(%dma_start3A_5 : memref<50x512xi32, #tpu.memory_space<hbm>>) target(%arg5 : memref<50x512xi32, #tpu.memory_space<vmem>>) target_semaphore(%arg7 : memref<!tpu.dma_semaphore, #tpu.memory_space<semaphore_mem>>)
    %scan3A = arith.constant 0 : i32
    %scan3A_6 = arith.constant 0 : i32
    %scan3A_7 = arith.constant 512 : i32
    %scan3A_8 = arith.addi %scan3A_6, %scan3A_7 : i32
    %scan3A_9 = arith.constant 1 : i32
    %scan3A_10 = scf.for %scan3A_52 = %scan3A_6 to %scan3A_8 step %scan3A_9 iter_args(%scan3A_53 = %scan3A) -> (i32)  : i32 {
      %broadcast_in_dim3A = arith.constant 0.000000e+00 : f32
      %broadcast_in_dim3A_54 = vector.broadcast %broadcast_in_dim3A : f32 to vector<16xf32>
      %swap3A = arith.index_cast %scan3A_52 : i32 to index
      %swap3A_55 = arith.constant 0 : index
      %swap3A_56 = tpu.vector_load %arg6[%swap3A, %swap3A_55] {strides = array<i32>} : memref<512x32xf32, #tpu.memory_space<vmem>>, vector<16xf32>,
      tpu.vector_store %arg6[%swap3A, %swap3A_55], %broadcast_in_dim3A_54 {strides = array<i32>} : memref<512x32xf32, #tpu.memory_space<vmem>>, vector<16xf32>,
      %broadcast_in_dim3A_57 = arith.constant 0.000000e+00 : f32
      %broadcast_in_dim3A_58 = vector.broadcast %broadcast_in_dim3A_57 : f32 to vector<16xf32>
      %swap3A_59 = arith.index_cast %scan3A_52 : i32 to index
      %swap3A_60 = arith.constant 16 : index
      %swap3A_61 = tpu.vector_load %arg6[%swap3A_59, %swap3A_60] {strides = array<i32>} : memref<512x32xf32, #tpu.memory_space<vmem>>, vector<16xf32>,
      tpu.vector_store %arg6[%swap3A_59, %swap3A_60], %broadcast_in_dim3A_58 {strides = array<i32>} : memref<512x32xf32, #tpu.memory_space<vmem>>, vector<16xf32>,
      %scan3A_62 = arith.constant 0 : i32
      scf.yield %scan3A_62 : i32
    }
    %scan3A_11 = arith.constant 512 : i32
    %dma_wait3A = arith.constant 0 : i32
    %dma_wait3A_12 = tpu.memref_slice %arg3[%dma_wait3A, %mul3A_2] : memref<50x16384xi32, #tpu.memory_space<hbm>> -> memref<50x512xi32, #tpu.memory_space<hbm>>
    %dma_wait3A_13 = arith.constant 0 : i32
    %dma_wait3A_14 = tpu.memref_slice %arg3[%dma_wait3A_13, %mul3A_2] : memref<50x16384xi32, #tpu.memory_space<hbm>> -> memref<50x512xi32, #tpu.memory_space<hbm>>
    tpu.wait_dma2 semaphore(%arg7 : memref<!tpu.dma_semaphore, #tpu.memory_space<semaphore_mem>>) src(%dma_wait3A_14 : memref<50x512xi32, #tpu.memory_space<hbm>>) dst(%arg5 : memref<50x512xi32, #tpu.memory_space<vmem>>)
    %scan3A_15 = arith.constant 0 : i32
    %scan3A_16 = arith.constant 0 : i32
    %scan3A_17 = arith.constant 50 : i32
    %scan3A_18 = arith.addi %scan3A_16, %scan3A_17 : i32
    %scan3A_19 = arith.constant 1 : i32
    %scan3A_20 = scf.for %scan3A_52 = %scan3A_16 to %scan3A_18 step %scan3A_19 iter_args(%scan3A_53 = %scan3A_15) -> (i32)  : i32 {
      %dma_start3A_54 = arith.constant 0 : i32
      %dma_start3A_55 = arith.constant 0 : i32
      %dma_start3A_56 = tpu.memref_slice %arg6[%dma_start3A_54, %dma_start3A_55] : memref<512x32xf32, #tpu.memory_space<vmem>> -> memref<128x32xf32, #tpu.memory_space<vmem>>
      %dma_start3A_57 = arith.constant 0 : i32
      %dma_start3A_58 = tpu.memref_slice %arg5[%scan3A_52, %dma_start3A_57] : memref<50x512xi32, #tpu.memory_space<vmem>> -> memref<1x128xi32, #tpu.memory_space<vmem>>
      %dma_start3A_59 = tpu.memref_squeeze %dma_start3A_58 : memref<1x128xi32, #tpu.memory_space<vmem>> -> memref<128xi32, #tpu.memory_space<vmem>>
      %dma_start3A_60 = arith.constant 0 : i32
      %dma_start3A_61 = arith.constant 0 : i32
      %dma_start3A_62 = tpu.memref_slice %arg2[%dma_start3A_60, %dma_start3A_61] : memref<1048576x32xf32, #tpu.memory_space<hbm>> -> memref<1048576x32xf32, #tpu.memory_space<hbm>>
      tpu.enqueue_indirect_dma source(%dma_start3A_62 : memref<1048576x32xf32, #tpu.memory_space<hbm>>) target(%dma_start3A_56 : memref<128x32xf32, #tpu.memory_space<vmem>>) offsets(%dma_start3A_59 : memref<128xi32, #tpu.memory_space<vmem>>) semaphore(%arg8 : memref<!tpu.dma_semaphore, #tpu.memory_space<semaphore_mem>>) {add = true}
      %scan3A_63 = arith.constant 0 : i32
      scf.yield %scan3A_63 : i32
    }
    %scan3A_21 = arith.constant 50 : i32
    %scan3A_22 = arith.constant 0 : i32
    %scan3A_23 = arith.constant 0 : i32
    %scan3A_24 = arith.constant 50 : i32
    %scan3A_25 = arith.addi %scan3A_23, %scan3A_24 : i32
    %scan3A_26 = arith.constant 1 : i32
    %scan3A_27 = scf.for %scan3A_52 = %scan3A_23 to %scan3A_25 step %scan3A_26 iter_args(%scan3A_53 = %scan3A_22) -> (i32)  : i32 {
      %dma_start3A_54 = arith.constant 128 : i32
      %dma_start3A_55 = arith.constant 0 : i32
      %dma_start3A_56 = tpu.memref_slice %arg6[%dma_start3A_54, %dma_start3A_55] : memref<512x32xf32, #tpu.memory_space<vmem>> -> memref<128x32xf32, #tpu.memory_space<vmem>>
      %dma_start3A_57 = arith.constant 128 : i32
      %dma_start3A_58 = tpu.memref_slice %arg5[%scan3A_52, %dma_start3A_57] : memref<50x512xi32, #tpu.memory_space<vmem>> -> memref<1x128xi32, #tpu.memory_space<vmem>>
      %dma_start3A_59 = tpu.memref_squeeze %dma_start3A_58 : memref<1x128xi32, #tpu.memory_space<vmem>> -> memref<128xi32, #tpu.memory_space<vmem>>
      %dma_start3A_60 = arith.constant 0 : i32
      %dma_start3A_61 = arith.constant 0 : i32
      %dma_start3A_62 = tpu.memref_slice %arg2[%dma_start3A_60, %dma_start3A_61] : memref<1048576x32xf32, #tpu.memory_space<hbm>> -> memref<1048576x32xf32, #tpu.memory_space<hbm>>
      tpu.enqueue_indirect_dma source(%dma_start3A_62 : memref<1048576x32xf32, #tpu.memory_space<hbm>>) target(%dma_start3A_56 : memref<128x32xf32, #tpu.memory_space<vmem>>) offsets(%dma_start3A_59 : memref<128xi32, #tpu.memory_space<vmem>>) semaphore(%arg8 : memref<!tpu.dma_semaphore, #tpu.memory_space<semaphore_mem>>) {add = true}
      %scan3A_63 = arith.constant 0 : i32
      scf.yield %scan3A_63 : i32
    }
    %scan3A_28 = arith.constant 50 : i32
    %scan3A_29 = arith.constant 0 : i32
    %scan3A_30 = arith.constant 0 : i32
    %scan3A_31 = arith.constant 50 : i32
    %scan3A_32 = arith.addi %scan3A_30, %scan3A_31 : i32
    %scan3A_33 = arith.constant 1 : i32
    %scan3A_34 = scf.for %scan3A_52 = %scan3A_30 to %scan3A_32 step %scan3A_33 iter_args(%scan3A_53 = %scan3A_29) -> (i32)  : i32 {
      %dma_start3A_54 = arith.constant 256 : i32
      %dma_start3A_55 = arith.constant 0 : i32
      %dma_start3A_56 = tpu.memref_slice %arg6[%dma_start3A_54, %dma_start3A_55] : memref<512x32xf32, #tpu.memory_space<vmem>> -> memref<128x32xf32, #tpu.memory_space<vmem>>
      %dma_start3A_57 = arith.constant 256 : i32
      %dma_start3A_58 = tpu.memref_slice %arg5[%scan3A_52, %dma_start3A_57] : memref<50x512xi32, #tpu.memory_space<vmem>> -> memref<1x128xi32, #tpu.memory_space<vmem>>
      %dma_start3A_59 = tpu.memref_squeeze %dma_start3A_58 : memref<1x128xi32, #tpu.memory_space<vmem>> -> memref<128xi32, #tpu.memory_space<vmem>>
      %dma_start3A_60 = arith.constant 0 : i32
      %dma_start3A_61 = arith.constant 0 : i32
      %dma_start3A_62 = tpu.memref_slice %arg2[%dma_start3A_60, %dma_start3A_61] : memref<1048576x32xf32, #tpu.memory_space<hbm>> -> memref<1048576x32xf32, #tpu.memory_space<hbm>>
      tpu.enqueue_indirect_dma source(%dma_start3A_62 : memref<1048576x32xf32, #tpu.memory_space<hbm>>) target(%dma_start3A_56 : memref<128x32xf32, #tpu.memory_space<vmem>>) offsets(%dma_start3A_59 : memref<128xi32, #tpu.memory_space<vmem>>) semaphore(%arg8 : memref<!tpu.dma_semaphore, #tpu.memory_space<semaphore_mem>>) {add = true}
      %scan3A_63 = arith.constant 0 : i32
      scf.yield %scan3A_63 : i32
    }
    %scan3A_35 = arith.constant 50 : i32
    %scan3A_36 = arith.constant 0 : i32
    %scan3A_37 = arith.constant 0 : i32
    %scan3A_38 = arith.constant 50 : i32
    %scan3A_39 = arith.addi %scan3A_37, %scan3A_38 : i32
    %scan3A_40 = arith.constant 1 : i32
    %scan3A_41 = scf.for %scan3A_52 = %scan3A_37 to %scan3A_39 step %scan3A_40 iter_args(%scan3A_53 = %scan3A_36) -> (i32)  : i32 {
      %dma_start3A_54 = arith.constant 384 : i32
      %dma_start3A_55 = arith.constant 0 : i32
      %dma_start3A_56 = tpu.memref_slice %arg6[%dma_start3A_54, %dma_start3A_55] : memref<512x32xf32, #tpu.memory_space<vmem>> -> memref<128x32xf32, #tpu.memory_space<vmem>>
      %dma_start3A_57 = arith.constant 384 : i32
      %dma_start3A_58 = tpu.memref_slice %arg5[%scan3A_52, %dma_start3A_57] : memref<50x512xi32, #tpu.memory_space<vmem>> -> memref<1x128xi32, #tpu.memory_space<vmem>>
      %dma_start3A_59 = tpu.memref_squeeze %dma_start3A_58 : memref<1x128xi32, #tpu.memory_space<vmem>> -> memref<128xi32, #tpu.memory_space<vmem>>
      %dma_start3A_60 = arith.constant 0 : i32
      %dma_start3A_61 = arith.constant 0 : i32
      %dma_start3A_62 = tpu.memref_slice %arg2[%dma_start3A_60, %dma_start3A_61] : memref<1048576x32xf32, #tpu.memory_space<hbm>> -> memref<1048576x32xf32, #tpu.memory_space<hbm>>
      tpu.enqueue_indirect_dma source(%dma_start3A_62 : memref<1048576x32xf32, #tpu.memory_space<hbm>>) target(%dma_start3A_56 : memref<128x32xf32, #tpu.memory_space<vmem>>) offsets(%dma_start3A_59 : memref<128xi32, #tpu.memory_space<vmem>>) semaphore(%arg8 : memref<!tpu.dma_semaphore, #tpu.memory_space<semaphore_mem>>) {add = true}
      %scan3A_63 = arith.constant 0 : i32
      scf.yield %scan3A_63 : i32
    }
    %scan3A_42 = arith.constant 50 : i32
    %scan3A_43 = arith.constant 0 : i32
    %scan3A_44 = arith.constant 0 : i32
    %scan3A_45 = arith.constant 200 : i32
    %scan3A_46 = arith.addi %scan3A_44, %scan3A_45 : i32
    %scan3A_47 = arith.constant 1 : i32
    %scan3A_48 = scf.for %scan3A_52 = %scan3A_44 to %scan3A_46 step %scan3A_47 iter_args(%scan3A_53 = %scan3A_43) -> (i32)  : i32 {
      %dma_wait3A_54 = arith.constant 0 : i32
      %dma_wait3A_55 = arith.constant 0 : i32
      %dma_wait3A_56 = arith.constant 0 : i32
      %dma_wait3A_57 = tpu.memref_slice %arg6[%dma_wait3A_55, %dma_wait3A_56] : memref<512x32xf32, #tpu.memory_space<vmem>> -> memref<128x32xf32, #tpu.memory_space<vmem>>
      %dma_wait3A_58 = arith.constant 0 : i32
      %dma_wait3A_59 = tpu.memref_slice %arg5[%dma_wait3A_54, %dma_wait3A_58] : memref<50x512xi32, #tpu.memory_space<vmem>> -> memref<1x128xi32, #tpu.memory_space<vmem>>
      %dma_wait3A_60 = tpu.memref_squeeze %dma_wait3A_59 : memref<1x128xi32, #tpu.memory_space<vmem>> -> memref<128xi32, #tpu.memory_space<vmem>>
      %dma_wait3A_61 = arith.constant 0 : i32
      %dma_wait3A_62 = arith.constant 0 : i32
      %dma_wait3A_63 = tpu.memref_slice %arg2[%dma_wait3A_61, %dma_wait3A_62] : memref<1048576x32xf32, #tpu.memory_space<hbm>> -> memref<1048576x32xf32, #tpu.memory_space<hbm>>
      tpu.wait_indirect_dma semaphore(%arg8 : memref<!tpu.dma_semaphore, #tpu.memory_space<semaphore_mem>>) src(%dma_wait3A_63 : memref<1048576x32xf32, #tpu.memory_space<hbm>>) dst(%dma_wait3A_57 : memref<128x32xf32, #tpu.memory_space<vmem>>)
      %scan3A_64 = arith.constant 0 : i32
      scf.yield %scan3A_64 : i32
    }
    %scan3A_49 = arith.constant 200 : i32
    %mul3A_50 = arith.constant 512 : i32
    %mul3A_51 = arith.muli %add3A, %mul3A_50 : i32
    "tpu.region"() ({
      %run_scoped3A = tpu.sem_alloc : memref<!tpu.dma_semaphore, #tpu.memory_space<semaphore_mem>>
      %dma_start3A_52 = arith.constant 0 : i32
      %dma_start3A_53 = tpu.memref_slice %arg4[%mul3A_51, %dma_start3A_52] : memref<16384x32xf32, #tpu.memory_space<hbm>> -> memref<512x32xf32, #tpu.memory_space<hbm>>
      %dma_start3A_54 = arith.constant 0 : i32
      %dma_start3A_55 = tpu.memref_slice %arg4[%mul3A_51, %dma_start3A_54] : memref<16384x32xf32, #tpu.memory_space<hbm>> -> memref<512x32xf32, #tpu.memory_space<hbm>>
      tpu.enqueue_dma source(%arg6 : memref<512x32xf32, #tpu.memory_space<vmem>>) target(%dma_start3A_55 : memref<512x32xf32, #tpu.memory_space<hbm>>) target_semaphore(%run_scoped3A : memref<!tpu.dma_semaphore, #tpu.memory_space<semaphore_mem>>)
      %dma_wait3A_56 = arith.constant 0 : i32
      %dma_wait3A_57 = tpu.memref_slice %arg4[%mul3A_51, %dma_wait3A_56] : memref<16384x32xf32, #tpu.memory_space<hbm>> -> memref<512x32xf32, #tpu.memory_space<hbm>>
      %dma_wait3A_58 = arith.constant 0 : i32
      %dma_wait3A_59 = tpu.memref_slice %arg4[%mul3A_51, %dma_wait3A_58] : memref<16384x32xf32, #tpu.memory_space<hbm>> -> memref<512x32xf32, #tpu.memory_space<hbm>>
      tpu.wait_dma2 semaphore(%run_scoped3A : memref<!tpu.dma_semaphore, #tpu.memory_space<semaphore_mem>>) src(%arg6 : memref<512x32xf32, #tpu.memory_space<vmem>>) dst(%dma_wait3A_59 : memref<512x32xf32, #tpu.memory_space<hbm>>)
      tpu.yield
    }) : () -> ()
    return
  }
}

module attributes {stable_mosaic.version = 14 : i64} {
  func.func @_fmt_body(%arg0: i32, %arg1: memref<32x65536xf32, #tpu.memory_space<vmem>>, %arg2: memref<16384x128xf32, #tpu.memory_space<vmem>>) attributes {dimension_semantics = [#tpu.dimension_semantics<arbitrary>], iteration_bounds = array<i64: 16>, scalar_prefetch = 0 : i64, scratch_operands = 0 : i64, tpu.core_type = #tpu.core_type<tc>, window_params = [{transform_indices = @transform_0, window_bounds = array<i64: 32, 65536>}, {transform_indices = @transform_1, window_bounds = array<i64: 16384, 128>}]} {
    %get3A = arith.constant 0 : index
    %get3A_0 = arith.constant 0 : index
    %get3A_1 = vector.load %arg1[%get3A, %get3A_0] : memref<32x65536xf32, #tpu.memory_space<vmem>>, vector<32x65536xf32>
    %slice3A = vector.extract_strided_slice %get3A_1 {offsets = [0, 0], sizes = [32, 16384], strides = [1, 1]} : vector<32x65536xf32> to vector<32x16384xf32>
    %slice3A_2 = vector.extract_strided_slice %get3A_1 {offsets = [0, 16384], sizes = [32, 16384], strides = [1, 1]} : vector<32x65536xf32> to vector<32x16384xf32>
    %slice3A_3 = vector.extract_strided_slice %get3A_1 {offsets = [0, 32768], sizes = [32, 16384], strides = [1, 1]} : vector<32x65536xf32> to vector<32x16384xf32>
    %slice3A_4 = vector.extract_strided_slice %get3A_1 {offsets = [0, 49152], sizes = [32, 16384], strides = [1, 1]} : vector<32x65536xf32> to vector<32x16384xf32>
    %concatenate3A = tpu.concatenate %slice3A, %slice3A_2, %slice3A_3, %slice3A_4 in 0 : vector<32x16384xf32>, vector<32x16384xf32>, vector<32x16384xf32>, vector<32x16384xf32> -> vector<128x16384xf32>
    %transpose3A = tpu.transpose %concatenate3A, [1, 0] : vector<128x16384xf32> -> vector<16384x128xf32>
    %swap3A = arith.constant 0 : index
    %swap3A_5 = arith.constant 0 : index
    %swap3A_6 = vector.load %arg2[%swap3A, %swap3A_5] : memref<16384x128xf32, #tpu.memory_space<vmem>>, vector<16384x128xf32>
    tpu.vector_store %arg2[%swap3A, %swap3A_5], %transpose3A {strides = array<i32>} : memref<16384x128xf32, #tpu.memory_space<vmem>>, vector<16384x128xf32>,
    return
  }
  func.func @transform_0(%arg0: i32) -> (i32, i32) {
    %c0_i32 = arith.constant 0 : i32
    %c0_i32_0 = arith.constant 0 : i32
    return %c0_i32, %arg0 : i32, i32
  }
  func.func @transform_1(%arg0: i32) -> (i32, i32) {
    %c0_i32 = arith.constant 0 : i32
    %c0_i32_0 = arith.constant 0 : i32
    return %arg0, %c0_i32 : i32, i32
  }
}

module attributes {stable_mosaic.version = 14 : i64} {
  func.func @_head_body(%arg0: i32, %arg1: memref<4096x32xf32, #tpu.memory_space<vmem>>, %arg2: memref<1x32xf32, #tpu.memory_space<vmem>>, %arg3: memref<1x32xf32, #tpu.memory_space<vmem>>, %arg4: memref<32x16xf32, #tpu.memory_space<vmem>>, %arg5: memref<1x16xf32, #tpu.memory_space<vmem>>, %arg6: memref<16x4096xf32, #tpu.memory_space<vmem>>) attributes {dimension_semantics = [#tpu.dimension_semantics<arbitrary>], iteration_bounds = array<i64: 4>, scalar_prefetch = 0 : i64, scratch_operands = 0 : i64, tpu.core_type = #tpu.core_type<tc>, window_params = [{transform_indices = @transform_0, window_bounds = array<i64: 4096, 32>}, {pipeline_mode = #tpu.pipeline_mode<synchronous>, transform_indices = @transform_1, window_bounds = array<i64: 1, 32>}, {pipeline_mode = #tpu.pipeline_mode<synchronous>, transform_indices = @transform_2, window_bounds = array<i64: 1, 32>}, {pipeline_mode = #tpu.pipeline_mode<synchronous>, transform_indices = @transform_3, window_bounds = array<i64: 32, 16>}, {pipeline_mode = #tpu.pipeline_mode<synchronous>, transform_indices = @transform_4, window_bounds = array<i64: 1, 16>}, {transform_indices = @transform_5, window_bounds = array<i64: 16, 4096>}]} {
    %get3A = arith.constant 0 : index
    %get3A_0 = arith.constant 0 : index
    %get3A_1 = vector.load %arg1[%get3A, %get3A_0] : memref<4096x32xf32, #tpu.memory_space<vmem>>, vector<4096x32xf32>
    %reduce_sum3A = arith.constant dense<0.000000e+00> : vector<4096xf32>
    %reduce_sum3A_2 = vector.multi_reduction <add>, %get3A_1, %reduce_sum3A [1] : vector<4096x32xf32> to vector<4096xf32>
    %broadcast_in_dim3A = vector.shape_cast %reduce_sum3A_2 : vector<4096xf32> to vector<4096x1xf32>
    %div3A = arith.constant 3.200000e+01 : f32
    %div3A_3 = vector.broadcast %div3A : f32 to vector<4096x1xf32>
    %div3A_4 = arith.divf %broadcast_in_dim3A, %div3A_3 : vector<4096x1xf32>
    %sub3A = vector.broadcast %div3A_4 : vector<4096x1xf32> to vector<4096x32xf32>
    %sub3A_5 = arith.subf %get3A_1, %sub3A : vector<4096x32xf32>
    %integer_pow3A = arith.mulf %sub3A_5, %sub3A_5 : vector<4096x32xf32>
    %reduce_sum3A_6 = arith.constant dense<0.000000e+00> : vector<4096xf32>
    %reduce_sum3A_7 = vector.multi_reduction <add>, %integer_pow3A, %reduce_sum3A_6 [1] : vector<4096x32xf32> to vector<4096xf32>
    %broadcast_in_dim3A_8 = vector.shape_cast %reduce_sum3A_7 : vector<4096xf32> to vector<4096x1xf32>
    %div3A_9 = arith.constant 3.200000e+01 : f32
    %div3A_10 = vector.broadcast %div3A_9 : f32 to vector<4096x1xf32>
    %div3A_11 = arith.divf %broadcast_in_dim3A_8, %div3A_10 : vector<4096x1xf32>
    %sub3A_12 = vector.broadcast %div3A_4 : vector<4096x1xf32> to vector<4096x32xf32>
    %sub3A_13 = arith.subf %get3A_1, %sub3A_12 : vector<4096x32xf32>
    %add3A = arith.constant 2.500000e-02 : f32
    %add3A_14 = vector.broadcast %add3A : f32 to vector<4096x1xf32>
    %add3A_15 = arith.addf %div3A_11, %add3A_14 : vector<4096x1xf32>
    %rsqrt3A = math.rsqrt %add3A_15 : vector<4096x1xf32>
    %mul3A = vector.broadcast %rsqrt3A : vector<4096x1xf32> to vector<4096x32xf32>
    %mul3A_16 = arith.mulf %sub3A_13, %mul3A : vector<4096x32xf32>
    %get3A_17 = arith.constant 0 : index
    %get3A_18 = arith.constant 0 : index
    %get3A_19 = vector.load %arg2[%get3A_17, %get3A_18] : memref<1x32xf32, #tpu.memory_space<vmem>>, vector<1x32xf32>
    %mul3A_20 = vector.broadcast %get3A_19 : vector<1x32xf32> to vector<4096x32xf32>
    %mul3A_21 = arith.mulf %mul3A_16, %mul3A_20 : vector<4096x32xf32>
    %get3A_22 = arith.constant 0 : index
    %get3A_23 = arith.constant 0 : index
    %get3A_24 = vector.load %arg3[%get3A_22, %get3A_23] : memref<1x32xf32, #tpu.memory_space<vmem>>, vector<1x32xf32>
    %add3A_25 = vector.broadcast %get3A_24 : vector<1x32xf32> to vector<4096x32xf32>
    %add3A_26 = arith.addf %mul3A_21, %add3A_25 : vector<4096x32xf32>
    %max3A = arith.constant 0.000000e+00 : f32
    %max3A_27 = vector.broadcast %max3A : f32 to vector<4096x32xf32>
    %max3A_28 = arith.maximumf %add3A_26, %max3A_27 : vector<4096x32xf32>
    %get3A_29 = arith.constant 0 : index
    %get3A_30 = arith.constant 0 : index
    %get3A_31 = vector.load %arg4[%get3A_29, %get3A_30] : memref<32x16xf32, #tpu.memory_space<vmem>>, vector<32x16xf32>
    %dot_general3A = arith.constant dense<0.000000e+00> : vector<4096x16xf32>
    %dot_general3A_32 = tpu.matmul %max3A_28, %get3A_31, %dot_general3A {dimension_numbers = #tpu.dot_dimension_numbers<[1], [0], [0], [1], [0, 0, 1, 1], [], []>, transpose_lhs_hint = false} : vector<4096x32xf32>, vector<32x16xf32>, vector<4096x16xf32> -> vector<4096x16xf32>
    %get3A_33 = arith.constant 0 : index
    %get3A_34 = arith.constant 0 : index
    %get3A_35 = vector.load %arg5[%get3A_33, %get3A_34] : memref<1x16xf32, #tpu.memory_space<vmem>>, vector<1x16xf32>
    %add3A_36 = vector.broadcast %get3A_35 : vector<1x16xf32> to vector<4096x16xf32>
    %add3A_37 = arith.addf %dot_general3A_32, %add3A_36 : vector<4096x16xf32>
    %transpose3A = tpu.transpose %add3A_37, [1, 0] : vector<4096x16xf32> -> vector<16x4096xf32>
    %swap3A = arith.constant 0 : index
    %swap3A_38 = arith.constant 0 : index
    %swap3A_39 = vector.load %arg6[%swap3A, %swap3A_38] : memref<16x4096xf32, #tpu.memory_space<vmem>>, vector<16x4096xf32>
    tpu.vector_store %arg6[%swap3A, %swap3A_38], %transpose3A {strides = array<i32>} : memref<16x4096xf32, #tpu.memory_space<vmem>>, vector<16x4096xf32>,
    return
  }
  func.func @transform_0(%arg0: i32) -> (i32, i32) {
    %c0_i32 = arith.constant 0 : i32
    %c0_i32_0 = arith.constant 0 : i32
    return %arg0, %c0_i32 : i32, i32
  }
  func.func @transform_1(%arg0: i32) -> (i32, i32) {
    %c0_i32 = arith.constant 0 : i32
    %c0_i32_0 = arith.constant 0 : i32
    %c0_i32_1 = arith.constant 0 : i32
    return %c0_i32, %c0_i32_0 : i32, i32
  }
  func.func @transform_2(%arg0: i32) -> (i32, i32) {
    %c0_i32 = arith.constant 0 : i32
    %c0_i32_0 = arith.constant 0 : i32
    %c0_i32_1 = arith.constant 0 : i32
    return %c0_i32, %c0_i32_0 : i32, i32
  }
  func.func @transform_3(%arg0: i32) -> (i32, i32) {
    %c0_i32 = arith.constant 0 : i32
    %c0_i32_0 = arith.constant 0 : i32
    %c0_i32_1 = arith.constant 0 : i32
    return %c0_i32, %c0_i32_0 : i32, i32
  }
  func.func @transform_4(%arg0: i32) -> (i32, i32) {
    %c0_i32 = arith.constant 0 : i32
    %c0_i32_0 = arith.constant 0 : i32
    %c0_i32_1 = arith.constant 0 : i32
    return %c0_i32, %c0_i32_0 : i32, i32
  }
  func.func @transform_5(%arg0: i32) -> (i32, i32) {
    %c0_i32 = arith.constant 0 : i32
    %c0_i32_0 = arith.constant 0 : i32
    return %c0_i32, %arg0 : i32, i32
  }
}

</mosaic_0001>

<sc_bundles>
// kernel: kernel.5.cloned.1.call-start
scs
__scs_entry_jumppad:
0x0: {  	(pc) =	sbr.rel $0x88, $3  }
0x1: {  	(tag) =	ssettag $0x0;
	lr =	simm.s32 $0x1  }
0x2: {  	[smem:$0x3F9B] =	sst lr;
	_ =	strace $0xD0000000  }
0x3: {  	_ = 	snop  }
0x4: {  	_ = 	snop  }
0x5: {  	_ = 	snop  }
0x6: {  	_ = 	snop  }
0x7: {  	_ = 	snop  }
__scs_overlays_trampoline_lowered:
0x8: {  	[smem:$0x3FAA] =	sst s0  }
0x9: {  	[smem:$0x3FAB] =	sst s1  }
0xa: {  	[smem:$0x3FAC] =	sst s2  }
0xb: {  	[smem:$0x3FAD] =	sst s3  }
0xc: {  	[smem:$0x3FAE] =	sst s4  }
0xd: {  	[smem:$0x3FAF] =	sst s5  }
0xe: {  	[smem:$0x3FB0] =	sst s6  }
0xf: {  	[smem:$0x3FB1] =	sst s7  }
0x10: {  	[smem:$0x3FB2] =	sst s8  }
0x11: {  	[smem:$0x3FB3] =	sst s9;
	s0 =	simm.s32 @!p0 $0x0  }
0x12: {  	s1 =	sld [smem:$0x3F99];
	s0 =	simm.s32 @p0 $0x1  }
0x13: {  	[smem:$0x3FB4] =	sst s0;
	s0 =	simm.s32 @!p1 $0x0  }
0x14: {  	s2 =	sld [smem:$0x3F98];
	s0 =	simm.s32 @p1 $0x1  }
0x15: {  	[smem:$0x3FB5] =	sst s0;
	s0 =	simm.s32 @!p2 $0x0  }
0x16: {  	s3 =	sld [smem:$0x3FDB];
	s0 =	simm.s32 @p2 $0x1  }
0x17: {  	s4 =	simm.s32 $0x1BF5;
	[smem:$0x3FB7] =	sst s0  }
0x18: {  	s0 =	sld [smem:$0x3F9A];
	_ =	swait.ge [sflag:s4], $0x0  }
0x19: {  	s7 =	sld [smem:$0x3F9B]  }
0x1a: {  	s8 =	sadd.s32 $0xFFFFE003, lr  }
0x1b: {  	s9 =	sadd.s32 $0xFFFFFEF7, lr;
	s5 =	simm.s32 $0xFFFFFFFF;
	p2 =	slt.u32 s8, $0xFFFFF086  }
0x1c: {  	p1 =	slt.u32 s9, $0xF7A;
	s5 =	simm.s32 @!p2 $0x0  }
0x1d: {  	s5 =	simm.s32 @p1 $0x1;
	p0 =	seq.s32 s7, s2  }
0x1e: {  	s7 =	smul.u32 @!p0 $0xF7A, s2;
	p2 =	seq.s32 @!p0 s5, $0x0  }
0x1f: {  	s9 =	smul.u32 $0xF7A, s1;
	s8 =	simm.s32 @!p0 $0x1BF5;
	p2 =	por !p2, p0  }
0x20: {  	[sflag:s8] =	ssyncset.s32 @!p0 $0xFFFFF086;
	s6 =	sadd.s32 @!p0 s3, s7;
	s7 =	simm.s32 @!p0 $0x108  }
0x21: {  	s3 =	sadd.s32 s3, s9;
	s6 =	sadd.s32 @!p0 $0x88, s6;
	s7 =	simm.s32 @p2 $0x1082  }
0x22: {  	[simem:s7], [sflag:s8] =	dma.local @!p0 [hbm:s6], $0xF7A  }
0x23: {  	s9 =	sor.u32 $0xD0000000, s2;
	s6 =	simm.s32 $0x108;
	_ =	swait.ge @!p0 [sflag:s8], $0x0  }
0x24: {  	s3 =	sadd.s32 $0x88, s3;
	s6 =	simm.s32 @!p1 $0x1082;
	[sflag:s4] =	ssyncset.s32 $0xFFFFF086  }
0x25: {  	[simem:s6], [sflag:s4] =	dma.local [hbm:s3], $0xF7A  }
0x26: {  	[smem:$0x3F9B] =	sst s1;
	(tag) =	ssettag s2;
	_ =	strace s9  }
0x27: {  	s1 =	sld [smem:$0x3FAB]  }
0x28: {  	s2 =	sld [smem:$0x3FAC]  }
0x29: {  	s4 =	sld [smem:$0x3FAE]  }
0x2a: {  	p0 =	seq.s32 s5, $0x0;
	s5 =	sld [smem:$0x3FAF]  }
0x2b: {  	s6 =	sld [smem:$0x3FB0]  }
0x2c: {  	s7 =	sld [smem:$0x3FB1]  }
0x2d: {  	s3 =	simm.s32 $0x108;
	s8 =	sld [smem:$0x3FB2]  }
0x2e: {  	s3 =	simm.s32 @!p0 $0x1082;
	s9 =	sld [smem:$0x3FB3]  }
0x2f: {  	lr =	sadd.s32 s0, s3;
	s0 =	sld [smem:$0x3FAA]  }
0x30: {  	s3 =	sld [smem:$0x3FAD]  }
0x31: {  	[smem:$0x3FB6] =	sst s10  }
0x32: {  	s10 =	sld [smem:$0x3FB4];
	_ =	sdelay $0x3  }
0x33: {  	p0 =	seq.s32 s10, $0x1;
	s10 =	sld [smem:$0x3FB6];
	_ =	sdelay $0x3  }
0x34: {  	[smem:$0x3FB6] =	sst s10  }
0x35: {  	s10 =	sld [smem:$0x3FB5];
	_ =	sdelay $0x3  }
0x36: {  	p1 =	seq.s32 s10, $0x1;
	s10 =	sld [smem:$0x3FB6];
	_ =	sdelay $0x3  }
0x37: {  	[smem:$0x3FB6] =	sst s10  }
0x38: {  	s10 =	sld [smem:$0x3FB7]  }
0x39: {  	_ = 	snop;
	(pc) =	sbr.ind lr, $3  }
0x3a: {  	_ = 	snop  }
0x3b: {  	_ = 	snop  }
0x3c: {  	p2 =	seq.s32 s10, $0x1;
	s10 =	sld [smem:$0x3FB6]  }
0x3d: {  	_ =	shalt  }
0x3e: {  	_ =	shalt  }
0x3f: {  	_ =	shalt  }
0x40: {  	_ =	shalt  }
0x41: {  	_ =	shalt  }
0x42: {  	_ =	shalt  }
0x43: {  	_ =	shalt  }
0x44: {  	_ =	shalt  }
0x45: {  	_ =	shalt  }
0x46: {  	_ =	shalt  }
0x47: {  	_ =	shalt  }
0x48: {  	_ =	shalt  }
0x49: {  	_ =	shalt  }
0x4a: {  	_ =	shalt  }
0x4b: {  	_ =	shalt  }
0x4c: {  	_ =	shalt  }
0x4d: {  	_ =	shalt  }
0x4e: {  	_ =	shalt  }
0x4f: {  	_ =	shalt  }
0x50: {  	_ =	shalt  }
0x51: {  	_ =	shalt  }
0x52: {  	_ =	shalt  }
0x53: {  	_ =	shalt  }
0x54: {  	_ =	shalt  }
0x55: {  	_ =	shalt  }
0x56: {  	_ =	shalt  }
0x57: {  	_ =	shalt  }
0x58: {  	_ =	shalt  }
0x59: {  	_ =	shalt  }
0x5a: {  	_ =	shalt  }
0x5b: {  	_ =	shalt  }
0x5c: {  	_ =	shalt  }
0x5d: {  	_ =	shalt  }
0x5e: {  	_ =	shalt  }
0x5f: {  	_ =	shalt  }
0x60: {  	_ =	shalt  }
0x61: {  	_ =	shalt  }
0x62: {  	_ =	shalt  }
0x63: {  	_ =	shalt  }
0x64: {  	_ =	shalt  }
0x65: {  	_ =	shalt  }
0x66: {  	_ =	shalt  }
0x67: {  	_ =	shalt  }
0x68: {  	_ =	shalt  }
0x69: {  	_ =	shalt  }
0x6a: {  	_ =	shalt  }
0x6b: {  	_ =	shalt  }
0x6c: {  	_ =	shalt  }
0x6d: {  	_ =	shalt  }
0x6e: {  	_ =	shalt  }
0x6f: {  	_ =	shalt  }
0x70: {  	_ =	shalt  }
0x71: {  	_ =	shalt  }
0x72: {  	_ =	shalt  }
0x73: {  	_ =	shalt  }
0x74: {  	_ =	shalt  }
0x75: {  	_ =	shalt  }
0x76: {  	_ =	shalt  }
0x77: {  	_ =	shalt  }
0x78: {  	_ =	shalt  }
0x79: {  	_ =	shalt  }
0x7a: {  	_ =	shalt  }
0x7b: {  	_ =	shalt  }
0x7c: {  	_ =	shalt  }
0x7d: {  	_ =	shalt  }
0x7e: {  	_ =	shalt  }
0x7f: {  	_ =	shalt  }
0x80: {  	_ =	shalt  }
0x81: {  	_ =	shalt  }
0x82: {  	_ =	shalt  }
0x83: {  	_ =	shalt  }
0x84: {  	_ =	shalt  }
0x85: {  	_ =	shalt  }
0x86: {  	_ =	shalt  }
0x87: {  	_ =	shalt  }
.Lfunc_end0:
.L_simem_size_0:
called_computation_lowered:
.L_overlay_start_0:
0x88: {  	s2 =	sld [smem:$0x3FD9]  }
0x89: {  	s3 =	sld [smem:$0x3FFE];
	_ =	sdelay $0x1  }
0x8a: {  	s1 =	srdreg.scid  }
0x8b: {  	s0 =	sand.u32 $0x1, s1  }
0x8c: {  	s16 =	sshll.u32 s0, $0xA;
	s2 =	sadd.s32 s3, s2  }
0x8d: {  	s2 =	sadd.s32 s2, s16  }
0x8e: {  	[smem:$0x3FC2] =	sst s2  }
0x8f: {  	_ = 	snop  }
0x90: {  	(tm) =	ssettm $0x1  }
0x91: {  	s17 =	sld [smem:$0x3FFB];
	_ =	sdelay $0x3  }
0x92: {  	_ =	strace s17  }
0x93: {  	s2 =	sld [smem:$0x3FFC];
	_ =	sdelay $0x3  }
0x94: {  	_ =	strace s2  }
0x95: {  	s2 =	sld [smem:$0x3FFD];
	_ =	sdelay $0x3  }
0x96: {  	_ =	strace s2  }
0x97: {  	_ =	strace $0x8FFFFFFF  }
0x98: {  	s18 =	sld [smem:$0x3FDB];
	_ =	sdelay $0x1  }
0x99: {  	s19 =	simm.s32 $_scs_section_size  }
0x9a: {  	s4 =	simm.s32 $_size__tile_overlayer_lowered;
	s5 =	simm.s32 $_tile_overlayer_lowered  }
0x9b: {  	s22 =	simm.s32 $0x1BFF;
	s21 =	sshll.u32 s5, $0x1;
	s2 =	sadd.s32 s19, s18  }
0x9c: {  	s6 =	simm.s32 $0x0;
	s20 =	sshll.u32 s4, $0x1;
	s4 =	sadd.s32 s21, s2  }
0x9d: {  	[timem:s6], [sflag:s22] =	dma.local [hbm:s4], s20  }
0x9e: {  	_ =	swait.ge [sflag:s22], s20  }
0x9f: {  	s3 =	ssub.s32 $0x0, s20;
	[sflag:s22] =	ssyncset.done $0x0  }
0xa0: {  	[sflag:s22] =	ssyncadd.s32 s3;
	_ =	sdelay $0x1  }
0xa1: {  	s23 =	simm.s32 $0x1B8B  }
0xa2: {  	_ =	swait.ge [sflag:s23], $0x1  }
0xa3: {  	[sflag:s23] =	ssyncset.done $0x0  }
0xa4: {  	s25 =	simm.s32 $0x1B8E;
	s24 =	sld [smem:$0x3FFE];
	[sflag:s23] =	ssyncadd.s32 $0xFFFFFFFF  }
0xa5: {  	s26 =	simm.s32 $execute0_lowered;
	[smem:$0x3FD2] =	sst s25  }
0xa6: {  	s4 =	sshll.u32 s26, $0x1;
	_ =	strace $0x80000046;
	[dreg:$0x1] =	wrdreg $0xFFFFFFFF  }
0xa7: {  	s28 =	simm.s32 $_size_execute0_lowered;
	s2 =	sadd.s32 s2, s4;
	[dreg:$0x0] =	wrdreg $0x0  }
0xa8: {  	s4 =	sshll.u32 s28, $0x1;
	[dreg:$0x2] =	wrdreg s2  }
0xa9: {  	[dreg:$0x3] =	wrdreg s4  }
0xaa: {  	[dreg:$0x4] =	wrdreg $0xC0  }
0xab: {  	_ =	task [dreg:s6], $0x5FFFF  }
0xac: {  	[dreg:$0x1] =	wrdreg $0xFFFFFFFF  }
0xad: {  	[dreg:$0x0] =	wrdreg $0x60  }
0xae: {  	[dreg:$0x2] =	wrdreg s24  }
0xaf: {  	[dreg:$0x3] =	wrdreg $0x9  }
0xb0: {  	_ =	task.clear_ibuf [dreg:s6], $0x4FFFF;
	_ =	strace $0x90000046  }
0xb1: {  	s29 =	simm.s32 $0x9;
	_ =	strace $0x80000048  }
0xb2: {  	_ =	swait.ge [sflag:s29], $0x1  }
0xb3: {  	[sflag:s29] =	ssyncadd.s32 $0xFFFFFFFF  }
0xb4: {  	_ =	strace $0x90000048  }
0xb5: {  	_ =	sfence  }
0xb6: {  	s30 =	sld [smem:$0x0];
	_ =	sdelay $0x2  }
0xb7: {  	s31 =	sshll.u32 s1, $0xD;
	s1 =	sshrl.u32 s1, $0x2  }
0xb8: {  	s3 =	sand.u32 $0x4000, s31;
	s1 =	sadd.s32 s1, s30  }
0xb9: {  	s0 =	sor.u32 s3, s0;
	s1 =	sshll.u32 s1, $0x11  }
0xba: {  	s0 =	sor.u32 s1, s0  }
0xbb: {  	s0 =	sadd.s32 $0x8F2B, s0  }
0xbc: {  	[sflag:s0] =	ssyncadd.remote.s32 $0x1  }
0xbd: {  	_ =	sfence.sel $0xFFFF  }
0xbe: {  	[dreg:$0x0] =	wrdreg $0xFFFFFFFF;
	(pc) =	sbr.abs _section_cstart, $3  }
0xbf: {  	[dreg:$0x1] =	wrdreg $0xFFFFFFFF  }
0xc0: {  	_ =	task.clear_ibuf [dreg:s6], $0x2FFFF;
	_ =	strace $0x9FFFFFFF  }
0xc1: {  	(tm) =	ssettm $0x7FFFFFFF  }
tec
execute0_lowered:
.L_overlay_start_1:
0x0: {  	(tag) =	ssettag $0x1  }
0x1: {  	s4 =	rddreg [dreg:$0x0]  }
0x2: {  	s0 =	rddreg [dreg:$0x1];
	s3 =	srdreg.scid  }
0x3: {  	s2 =	simm.s32 $0x0;
	s1 =	stileid.u32;
	s9 =	simm.s32 $0x1  }
0x4: {  	s10 =	simm.s32 $0x80;
	s11 =	simm.s32 $0x6400;
	s12 =	simm.s32 $0x7400  }
0x5: {  	s13 =	simm.s32 $0x8400;
	s14 =	simm.s32 $0x9400;
	s15 =	simm.s32 $0x2  }
0x6: {  	s16 =	simm.s32 $0x3;
	s17 =	simm.s32 $0x0;
	s5 =	sand.u32 $0x1, s3  }
0x7: {  	[smem:$0x7FF] =	sst s2;
	s6 =	sshll.u32 s1, $0xA;
	s7 =	sshll.u32 s5, $0x9  }
0x8: {  	s3 =	sadd.s32 $0x19C00, s4;
	_ =	strace $0x80000047;
	s6 =	sor.u32 s7, s6  }
0x9: {  	s5 =	ssub.s32 $0x2, s5;
	s7 =	sshrl.u32 s6, $0x3;
	s6 =	sshll.u32 s6, $0x2  }
0xa: {  	s31 =	sshrl.u32 s5, $0x1;
	s7 =	sadd.s32 s7, s4;
	s6 =	sadd.s32 s6, s4  }
0xb: {  	s8 =	ssub.s32 s5, s31;
	s4 =	sadd.s32 $0xC00, s7;
	s5 =	sadd.s32 $0x419C00, s6  }
0xc: {  	v0 =	vimm.f32 $0.0e+00;
	s6 =	smax.u32 s8, $0x1;
	s7 =	simm.s32 $0x200;
	s8 =	simm.s32 $0x4000  }
.LBB2_1:
0xd: {  	[tilespmem:s2], [sflag:$0x1] =	stream.strided.gather [hbm4b:s4+s7], $0x6400, s8, s7, $0x38;
	[tilespmem:$0xA400] =	vst v63  }
0xe: {  	s18 =	simm.s32 $0x80;
	s19 =	simm.s32 $0x0  }
.LBB2_2:
0xf: {  	p0 =	sne.s32 s18, $0xFF80;
	[tilespmem:s19+$0x6400] =	vst v0;
	s20 =	smov.u32 s18;
	s18 =	sadd.s32 $0x80, s18  }
.Ltmp0:
0x10: {  	[tilespmem:s19+$0x6410] =	vst v0;
	(pc) =	sbr.rel @p0 .LBB2_2-.Ltmp0, $2  }
0x11: {  	_ =	sdelay $0x2  }
0x12: {  	s19 =	sshra.s32 s20, $0x2  }
0x13: {  	[tilespmem:s19+$0x6400] =	vst v0  }
0x14: {  	[tilespmem:s19+$0x6410] =	vst v0  }
0x15: {  	_ =	swait.ge [sflag:s9], $0x6400  }
0x16: {  	[sflag:s9] =	ssyncset.done $0x0  }
0x17: {  	s18 =	simm.s32 $0x0;
	[sflag:s9] =	ssyncadd.s32 $0xFFFF9C00  }
.LBB2_4:
0x18: {  	p0 =	sne.s32 s18, $0x18800  }
.Ltmp1:
0x19: {  	_ = 	snop;
	(pc) =	sbr.rel @p0 .LBB2_4-.Ltmp1, $3  }
0x1a: {  	_ =	sdelay $0x1  }
0x1b: {  	s19 =	sshra.s32 s18, $0x2;
	s18 =	sadd.s32 $0x800, s18  }
0x1c: {  	[tilespmem:s11], [sflag:$0x2] =	stream.indirect.gather.add.f32 [hbm:s3], $0x20, s19, s10, $0xb8;
	[tilespmem:$0xA400] =	vst v63  }
0x1d: {  	s18 =	simm.s32 $0x200  }
.LBB2_6:
0x1e: {  	p0 =	sne.s32 s18, $0x18A00  }
.Ltmp2:
0x1f: {  	_ = 	snop;
	(pc) =	sbr.rel @p0 .LBB2_6-.Ltmp2, $3  }
0x20: {  	_ =	sdelay $0x1  }
0x21: {  	s19 =	sshra.s32 s18, $0x2;
	s18 =	sadd.s32 $0x800, s18  }
0x22: {  	[tilespmem:s12], [sflag:$0x2] =	stream.indirect.gather.add.f32 [hbm:s3], $0x20, s19, s10, $0xb8;
	[tilespmem:$0xA400] =	vst v63  }
0x23: {  	s18 =	simm.s32 $0x400  }
.LBB2_8:
0x24: {  	p0 =	sne.s32 s18, $0x18C00  }
.Ltmp3:
0x25: {  	_ = 	snop;
	(pc) =	sbr.rel @p0 .LBB2_8-.Ltmp3, $3  }
0x26: {  	_ =	sdelay $0x1  }
0x27: {  	s19 =	sshra.s32 s18, $0x2;
	s18 =	sadd.s32 $0x800, s18  }
0x28: {  	[tilespmem:s13], [sflag:$0x2] =	stream.indirect.gather.add.f32 [hbm:s3], $0x20, s19, s10, $0xb8;
	[tilespmem:$0xA400] =	vst v63  }
0x29: {  	s18 =	simm.s32 $0x600  }
.LBB2_10:
0x2a: {  	p0 =	sne.s32 s18, $0x18E00  }
.Ltmp4:
0x2b: {  	_ = 	snop;
	(pc) =	sbr.rel @p0 .LBB2_10-.Ltmp4, $3  }
0x2c: {  	_ =	sdelay $0x1  }
0x2d: {  	s19 =	sshra.s32 s18, $0x2;
	s18 =	sadd.s32 $0x800, s18  }
0x2e: {  	[tilespmem:s14], [sflag:$0x2] =	stream.indirect.gather.add.f32 [hbm:s3], $0x20, s19, s10, $0xb8;
	[tilespmem:$0xA400] =	vst v63  }
0x2f: {  	_ =	swait.ge [sflag:s15], $0x1000  }
0x30: {  	s18 =	simm.s32 $0xC7;
	[sflag:s15] =	ssyncset.done $0x0  }
.LBB2_12:
0x31: {  	p0 =	sne.s32 s18, $0x1;
	s18 =	sadd.s32 $0xFFFFFFFF, s18;
	[sflag:s15] =	ssyncadd.s32 $0xFFFFF000  }
.Ltmp5:
0x32: {  	(pc) =	sbr.rel @p0 .LBB2_12-.Ltmp5, $3  }
0x33: {  	_ =	sdelay $0x1  }
0x34: {  	_ =	swait.ge [sflag:s15], $0x1000  }
0x35: {  	[sflag:s15] =	ssyncset.done $0x0  }
0x36: {  	s17 =	sadd.s32 $0x1, s17  }
0x37: {  	p0 =	sne.s32 s17, s6  }
.Ltmp6:
0x38: {  	[sflag:s15] =	ssyncadd.s32 $0xFFFFF000;
	(pc) =	sbr.rel @p0 .LBB2_1-.Ltmp6, $4  }
0x39: {  	[hbm4b:s5+s2] =	stream.linear.scatter [tilespmem:s11], [sflag:$0x3], $0x4000, $0x38;
	[tilespmem:$0xA400] =	vst v63  }
0x3a: {  	_ =	swait.ge [sflag:s16], $0x4000  }
0x3b: {  	[sflag:s16] =	ssyncset.done $0x0  }
0x3c: {  	[sflag:s16] =	ssyncadd.s32 $0xFFFFC000  }
0x3d: {  	_ =	sfence.sel $0x180000  }
0x3e: {  	[bflag:$0x0] =	sbarrier.arrive $0xFFFF  }
0x3f: {  	p0 =	sne.s32 s1, $0x0;
	_ =	strace $0x90000047  }
0x40: {  	s0 =	sadd.s32 @!p0 $0x100000, s0;
	[bflag:$0x2] =	sbarrier.arrive $0xFFFF  }
0x41: {  	[sflag:s0] =	ssyncadd.tile.s32 @!p0 $0x1;
	_ =	shalt  }
.Lfunc_end2:
_tile_overlayer_lowered:
.L_overlay_start_2:
0x42: {  	(tag) =	ssettag $0x2  }
0x43: {  	s0 =	rddreg [dreg:$0x0];
	s2 =	stileid.u32  }
0x44: {  	s1 =	rddreg [dreg:$0x1];
	p0 =	sne.s32 s2, $0x0  }
0x45: {  	s3 =	rddreg [dreg:$0x2];
	[bflag:$0x3] =	sbarrier.arrive $0xFFFF;
	s2 =	simm.s32 @!p0 $0x1C03  }
0x46: {  	[timem:s3], [sflag:s2] =	dma.local @!p0 [hbm:s0], s1  }
0x47: {  	s0 =	simm.s32 @!p0 $0x3  }
0x48: {  	_ =	swait.ge @!p0 [sflag:s0], s1  }
0x49: {  	s1 =	ssub.s32 @!p0 $0x0, s1;
	[sflag:s0] =	ssyncset.done @!p0 $0x0  }
0x4a: {  	[sflag:s0] =	ssyncadd.s32 @!p0 s1  }
0x4b: {  	[bflag:$0x3] =	sbarrier.arrive $0xFFFF  }
0x4c: {  	_ =	shalt  }

</sc_bundles>
